<compile_context>
chip_gen: v7x
topology: tpu7x:2x2x1
jax: 0.10.2.dev20260603
libtpu: 0.0.44.dev20260713+nightly
codegen_flags: <defaults>
</compile_context>

<pallas_src>
import functools

import jax
import jax.numpy as jnp
from jax import lax
from jax.experimental import pallas as pl
from jax.experimental.pallas import tpu as pltpu
from jax.experimental.pallas import tpu_sc as plsc

D = 128
S = 1000
ES = 3200
NW = 32
EPS = 1e-6
C_EPS2 = float(D) * EPS * EPS
DUP_DIST = 1.1313708498984762e-05
E2 = 7.389056205749512

SW = 32
EW = 104


def _sc_gather_body(z_hbm, sidx_hbm, ei_hbm, ej_hbm, zs_out, zi_out, zj_out,
                    idx_v, rows_v, ei_v, ej_v, zi_v, zj_v,
                    sem_s, sem_i, sem_j):
    wid = lax.axis_index("s") * 2 + lax.axis_index("c")
    sbase = jnp.minimum(wid * SW, S - SW)
    ebase = jnp.minimum(wid * EW, ES - EW)

    ld_s = pltpu.async_copy(sidx_hbm.at[pl.ds(sbase, SW)], idx_v, sem_s)
    ld_i = pltpu.async_copy(ei_hbm.at[pl.ds(ebase, EW)], ei_v, sem_i)
    ld_j = pltpu.async_copy(ej_hbm.at[pl.ds(ebase, EW)], ej_v, sem_j)
    ld_s.wait()
    g_s = pltpu.async_copy(z_hbm.at[idx_v], rows_v, sem_s)
    ld_i.wait()
    g_i = pltpu.async_copy(z_hbm.at[ei_v], zi_v, sem_i)
    ld_j.wait()
    g_j = pltpu.async_copy(z_hbm.at[ej_v], zj_v, sem_j)
    g_s.wait()
    w_s = pltpu.async_copy(rows_v, zs_out.at[pl.ds(sbase, SW)], sem_s)
    g_i.wait()
    w_i = pltpu.async_copy(zi_v, zi_out.at[pl.ds(ebase, EW)], sem_i)
    g_j.wait()
    w_j = pltpu.async_copy(zj_v, zj_out.at[pl.ds(ebase, EW)], sem_j)
    w_s.wait()
    w_i.wait()
    w_j.wait()


@functools.cache
def _sc_gather_kernel():
    mesh = plsc.VectorSubcoreMesh(core_axis_name="c", subcore_axis_name="s")
    return pl.kernel(
        _sc_gather_body,
        out_type=(
            jax.ShapeDtypeStruct((S, D), jnp.float32),
            jax.ShapeDtypeStruct((ES, D), jnp.float32),
            jax.ShapeDtypeStruct((ES, D), jnp.float32),
        ),
        mesh=mesh,
        scratch_types=[
            pltpu.VMEM((SW,), jnp.int32),
            pltpu.VMEM((SW, D), jnp.float32),
            pltpu.VMEM((EW,), jnp.int32),
            pltpu.VMEM((EW,), jnp.int32),
            pltpu.VMEM((EW, D), jnp.float32),
            pltpu.VMEM((EW, D), jnp.float32),
            pltpu.SemaphoreType.DMA,
            pltpu.SemaphoreType.DMA,
            pltpu.SemaphoreType.DMA,
        ],
    )


def _tc_body(beta_ref, zs_ref, idxc_ref, idxr_ref, zi_hbm, zj_hbm, out_ref,
             zi_v, zj_v, sem_i, sem_j):
    cp_i = pltpu.make_async_copy(zi_hbm, zi_v, sem_i)
    cp_j = pltpu.make_async_copy(zj_hbm, zj_v, sem_j)
    cp_i.start()
    cp_j.start()
    beta = beta_ref[0, 0]
    zs = zs_ref[...]
    n = jnp.sum(zs * zs, axis=1, keepdims=True)
    s = jnp.sum(zs, axis=1, keepdims=True)
    a_col = n + (2.0 * EPS) * s + C_EPS2
    b_col = n - (2.0 * EPS) * s
    ones_col = jnp.ones((S, 1), jnp.float32)
    lhs = jnp.concatenate([zs, ones_col], axis=1)
    rhs = jnp.concatenate([-2.0 * zs, b_col], axis=1)
    g2 = lax.dot_general(lhs, rhs, (((1,), (1,)), ((), ())),
                         preferred_element_type=jnp.float32,
                         precision=lax.Precision.DEFAULT)
    dist = jnp.sqrt(jnp.maximum(a_col + g2, C_EPS2))
    eq = idxc_ref[...] == idxr_ref[...]
    dist = jnp.where(eq, DUP_DIST, dist)
    total = jnp.sum(jnp.exp(beta - dist)) - float(S) * jnp.exp(beta - DUP_DIST)
    z_pdist1 = 0.5 * E2 * total
    cp_i.wait()
    cp_j.wait()
    de = zi_v[...] - zj_v[...] + EPS
    e_d2 = jnp.sum(de * de, axis=1, keepdims=True)
    z_pdist2 = float(ES) * beta - jnp.sum(jnp.sqrt(e_d2))
    out_ref[0, 0] = z_pdist2 - z_pdist1


_tc_call = pl.pallas_call(
    _tc_body,
    out_shape=jax.ShapeDtypeStruct((1, 1), jnp.float32),
    in_specs=[
        pl.BlockSpec(memory_space=pltpu.SMEM),
        pl.BlockSpec(memory_space=pltpu.VMEM),
        pl.BlockSpec(memory_space=pltpu.VMEM),
        pl.BlockSpec(memory_space=pltpu.VMEM),
        pl.BlockSpec(memory_space=pltpu.MemorySpace.HBM),
        pl.BlockSpec(memory_space=pltpu.MemorySpace.HBM),
    ],
    out_specs=pl.BlockSpec(memory_space=pltpu.SMEM),
    scratch_shapes=[
        pltpu.VMEM((ES, D), jnp.float32),
        pltpu.VMEM((ES, D), jnp.float32),
        pltpu.SemaphoreType.DMA,
        pltpu.SemaphoreType.DMA,
    ],
)


def kernel(latent_Z, beta, sample_idx, sparse_sample_i, sparse_sample_j):
    zs, zi, zj = _sc_gather_kernel()(latent_Z, sample_idx,
                                     sparse_sample_i, sparse_sample_j)
    return _tc_call(
        beta.reshape(1, 1),
        zs,
        sample_idx.reshape(S, 1),
        sample_idx.reshape(1, S),
        zi,
        zj,
    )

# --- scband reference (transcript-rebuilt; emitter-appended) ---
"""Pipeline reference for scband-lsmaa-48558900249085 (READ-ONLY COPY).

The authoritative reference and input builder live on the scoring server;
editing this copy changes nothing except your own understanding.
"""

import jax, jax.numpy as jnp
import numpy as np

N = 10000
D = 128
S = 1000
ES = 3200

def setup_inputs(seed: int = 0) -> dict:
    key = jax.random.key(seed)
    k1, k2, k3, k4, k5 = jax.random.split(key, 5)
    return {
        "latent_Z": jax.random.normal(k1, (N, D), dtype=jnp.float32),
        "beta": jax.random.normal(k2, (1,), dtype=jnp.float32),
        "sample_idx": jax.random.randint(k3, (S,), 0, N, dtype=jnp.int32),
        "sparse_sample_i": jax.random.randint(k4, (ES,), 0, N, dtype=jnp.int32),
        "sparse_sample_j": jax.random.randint(k5, (ES,), 0, N, dtype=jnp.int32),
    }


def reference(latent_Z, beta, sample_idx, sparse_sample_i, sparse_sample_j):
    # log_likelihood of the LSM with AA-style node sampling.
    # sample_network() (multinomial + spspmm edge restriction) is precomputed
    # as integer index tensors: sample_idx, sparse_sample_i, sparse_sample_j.
    Zs = jnp.take(latent_Z, sample_idx, axis=0)                      # [S, D]
    diff = Zs[:, None, :] - Zs[None, :, :] + 1e-06                   # [S, S, D]
    dist = jnp.sum(diff ** 2, axis=-1) ** 0.5                        # [S, S]
    mat = jnp.exp(beta - dist)                                       # [S, S]
    ones_e = jnp.exp(jnp.ones((sample_idx.shape[0],), dtype=latent_Z.dtype))
    mat_nodiag = mat - jnp.diag(jnp.diagonal(mat))
    z_pdist1 = 0.5 * jnp.matmul(ones_e[None, :], jnp.matmul(mat_nodiag, ones_e[:, None]))  # [1,1]
    Zi = jnp.take(latent_Z, sparse_sample_i, axis=0)
    Zj = jnp.take(latent_Z, sparse_sample_j, axis=0)
    d_edges = jnp.sum((Zi - Zj + 1e-06) ** 2, axis=-1) ** 0.5        # [ES]
    z_pdist2 = jnp.sum(beta - d_edges)
    log_likelihood_sparse = z_pdist2 - z_pdist1                      # [1,1]
    return log_likelihood_sparse

if __name__ == "__main__":
    import jax
    _d = setup_inputs()
    print(jax.jit(kernel)(*tuple(_d.values())))

</pallas_src>

<mosaic_0001>
#map = affine_map<(d0, d1) -> (0, 0)>
#map1 = affine_map<(d0, d1) -> (0)>
module attributes {stable_mosaic.version = 14 : i64} {
  func.func @_sc_gather_body(%arg0: i32, %arg1: i32, %arg2: memref<10000x128xf32, #tpu.memory_space<hbm>>, %arg3: memref<1000xi32, #tpu.memory_space<hbm>>, %arg4: memref<3200xi32, #tpu.memory_space<hbm>>, %arg5: memref<3200xi32, #tpu.memory_space<hbm>>, %arg6: memref<1000x128xf32, #tpu.memory_space<hbm>>, %arg7: memref<3200x128xf32, #tpu.memory_space<hbm>>, %arg8: memref<3200x128xf32, #tpu.memory_space<hbm>>, %arg9: memref<32xi32, #tpu.memory_space<vmem>>, %arg10: memref<32x128xf32, #tpu.memory_space<vmem>>, %arg11: memref<104xi32, #tpu.memory_space<vmem>>, %arg12: memref<104xi32, #tpu.memory_space<vmem>>, %arg13: memref<104x128xf32, #tpu.memory_space<vmem>>, %arg14: memref<104x128xf32, #tpu.memory_space<vmem>>, %arg15: memref<!tpu.dma_semaphore, #tpu.memory_space<semaphore_mem>>, %arg16: memref<!tpu.dma_semaphore, #tpu.memory_space<semaphore_mem>>, %arg17: memref<!tpu.dma_semaphore, #tpu.memory_space<semaphore_mem>>) attributes {dimension_semantics = [#tpu.dimension_semantics<core_parallel>, #tpu.dimension_semantics<subcore_parallel>], iteration_bounds = array<i64: 2, 16>, scalar_prefetch = 0 : i64, scratch_operands = 9 : i64, tpu.core_type = #tpu.core_type<sc_vector_subcore>, window_params = [{transform_indices = #map}, {transform_indices = #map1}, {transform_indices = #map1}, {transform_indices = #map1}, {transform_indices = #map}, {transform_indices = #map}, {transform_indices = #map}]} {
    %mul3A = arith.constant 2 : i32
    %mul3A_0 = arith.muli %arg1, %mul3A : i32
    %add3A = arith.addi %mul3A_0, %arg0 : i32
    %mul3A_1 = arith.constant 32 : i32
    %mul3A_2 = arith.muli %add3A, %mul3A_1 : i32
    %min3A = arith.constant 968 : i32
    %min3A_3 = arith.minsi %mul3A_2, %min3A : i32
    %mul3A_4 = arith.constant 104 : i32
    %mul3A_5 = arith.muli %add3A, %mul3A_4 : i32
    %min3A_6 = arith.constant 3096 : i32
    %min3A_7 = arith.minsi %mul3A_5, %min3A_6 : i32
    %dma_start3A = tpu.memref_slice %arg3[%min3A_3] : memref<1000xi32, #tpu.memory_space<hbm>> -> memref<32xi32, #tpu.memory_space<hbm>>
    %dma_start3A_8 = tpu.memref_slice %arg3[%min3A_3] : memref<1000xi32, #tpu.memory_space<hbm>> -> memref<32xi32, #tpu.memory_space<hbm>>
    tpu.enqueue_dma source(%dma_start3A_8 : memref<32xi32, #tpu.memory_space<hbm>>) target(%arg9 : memref<32xi32, #tpu.memory_space<vmem>>) target_semaphore(%arg15 : memref<!tpu.dma_semaphore, #tpu.memory_space<semaphore_mem>>)
    %dma_start3A_9 = tpu.memref_slice %arg4[%min3A_7] : memref<3200xi32, #tpu.memory_space<hbm>> -> memref<104xi32, #tpu.memory_space<hbm>>
    %dma_start3A_10 = tpu.memref_slice %arg4[%min3A_7] : memref<3200xi32, #tpu.memory_space<hbm>> -> memref<104xi32, #tpu.memory_space<hbm>>
    tpu.enqueue_dma source(%dma_start3A_10 : memref<104xi32, #tpu.memory_space<hbm>>) target(%arg11 : memref<104xi32, #tpu.memory_space<vmem>>) target_semaphore(%arg16 : memref<!tpu.dma_semaphore, #tpu.memory_space<semaphore_mem>>)
    %dma_start3A_11 = tpu.memref_slice %arg5[%min3A_7] : memref<3200xi32, #tpu.memory_space<hbm>> -> memref<104xi32, #tpu.memory_space<hbm>>
    %dma_start3A_12 = tpu.memref_slice %arg5[%min3A_7] : memref<3200xi32, #tpu.memory_space<hbm>> -> memref<104xi32, #tpu.memory_space<hbm>>
    tpu.enqueue_dma source(%dma_start3A_12 : memref<104xi32, #tpu.memory_space<hbm>>) target(%arg12 : memref<104xi32, #tpu.memory_space<vmem>>) target_semaphore(%arg17 : memref<!tpu.dma_semaphore, #tpu.memory_space<semaphore_mem>>)
    %dma_wait3A = tpu.memref_slice %arg3[%min3A_3] : memref<1000xi32, #tpu.memory_space<hbm>> -> memref<32xi32, #tpu.memory_space<hbm>>
    %dma_wait3A_13 = tpu.memref_slice %arg3[%min3A_3] : memref<1000xi32, #tpu.memory_space<hbm>> -> memref<32xi32, #tpu.memory_space<hbm>>
    tpu.wait_dma2 semaphore(%arg15 : memref<!tpu.dma_semaphore, #tpu.memory_space<semaphore_mem>>) src(%dma_wait3A_13 : memref<32xi32, #tpu.memory_space<hbm>>) dst(%arg9 : memref<32xi32, #tpu.memory_space<vmem>>)
    %dma_start3A_14 = arith.constant 0 : i32
    %dma_start3A_15 = arith.constant 0 : i32
    %dma_start3A_16 = tpu.memref_slice %arg2[%dma_start3A_14, %dma_start3A_15] : memref<10000x128xf32, #tpu.memory_space<hbm>> -> memref<10000x128xf32, #tpu.memory_space<hbm>>
    tpu.enqueue_indirect_dma source(%dma_start3A_16 : memref<10000x128xf32, #tpu.memory_space<hbm>>) target(%arg10 : memref<32x128xf32, #tpu.memory_space<vmem>>) offsets(%arg9 : memref<32xi32, #tpu.memory_space<vmem>>) semaphore(%arg15 : memref<!tpu.dma_semaphore, #tpu.memory_space<semaphore_mem>>)
    %dma_wait3A_17 = tpu.memref_slice %arg4[%min3A_7] : memref<3200xi32, #tpu.memory_space<hbm>> -> memref<104xi32, #tpu.memory_space<hbm>>
    %dma_wait3A_18 = tpu.memref_slice %arg4[%min3A_7] : memref<3200xi32, #tpu.memory_space<hbm>> -> memref<104xi32, #tpu.memory_space<hbm>>
    tpu.wait_dma2 semaphore(%arg16 : memref<!tpu.dma_semaphore, #tpu.memory_space<semaphore_mem>>) src(%dma_wait3A_18 : memref<104xi32, #tpu.memory_space<hbm>>) dst(%arg11 : memref<104xi32, #tpu.memory_space<vmem>>)
    %dma_start3A_19 = arith.constant 0 : i32
    %dma_start3A_20 = arith.constant 0 : i32
    %dma_start3A_21 = tpu.memref_slice %arg2[%dma_start3A_19, %dma_start3A_20] : memref<10000x128xf32, #tpu.memory_space<hbm>> -> memref<10000x128xf32, #tpu.memory_space<hbm>>
    tpu.enqueue_indirect_dma source(%dma_start3A_21 : memref<10000x128xf32, #tpu.memory_space<hbm>>) target(%arg13 : memref<104x128xf32, #tpu.memory_space<vmem>>) offsets(%arg11 : memref<104xi32, #tpu.memory_space<vmem>>) semaphore(%arg16 : memref<!tpu.dma_semaphore, #tpu.memory_space<semaphore_mem>>)
    %dma_wait3A_22 = tpu.memref_slice %arg5[%min3A_7] : memref<3200xi32, #tpu.memory_space<hbm>> -> memref<104xi32, #tpu.memory_space<hbm>>
    %dma_wait3A_23 = tpu.memref_slice %arg5[%min3A_7] : memref<3200xi32, #tpu.memory_space<hbm>> -> memref<104xi32, #tpu.memory_space<hbm>>
    tpu.wait_dma2 semaphore(%arg17 : memref<!tpu.dma_semaphore, #tpu.memory_space<semaphore_mem>>) src(%dma_wait3A_23 : memref<104xi32, #tpu.memory_space<hbm>>) dst(%arg12 : memref<104xi32, #tpu.memory_space<vmem>>)
    %dma_start3A_24 = arith.constant 0 : i32
    %dma_start3A_25 = arith.constant 0 : i32
    %dma_start3A_26 = tpu.memref_slice %arg2[%dma_start3A_24, %dma_start3A_25] : memref<10000x128xf32, #tpu.memory_space<hbm>> -> memref<10000x128xf32, #tpu.memory_space<hbm>>
    tpu.enqueue_indirect_dma source(%dma_start3A_26 : memref<10000x128xf32, #tpu.memory_space<hbm>>) target(%arg14 : memref<104x128xf32, #tpu.memory_space<vmem>>) offsets(%arg12 : memref<104xi32, #tpu.memory_space<vmem>>) semaphore(%arg17 : memref<!tpu.dma_semaphore, #tpu.memory_space<semaphore_mem>>)
    %dma_wait3A_27 = arith.constant 0 : i32
    %dma_wait3A_28 = arith.constant 0 : i32
    %dma_wait3A_29 = tpu.memref_slice %arg2[%dma_wait3A_27, %dma_wait3A_28] : memref<10000x128xf32, #tpu.memory_space<hbm>> -> memref<10000x128xf32, #tpu.memory_space<hbm>>
    tpu.wait_indirect_dma semaphore(%arg15 : memref<!tpu.dma_semaphore, #tpu.memory_space<semaphore_mem>>) src(%dma_wait3A_29 : memref<10000x128xf32, #tpu.memory_space<hbm>>) dst(%arg10 : memref<32x128xf32, #tpu.memory_space<vmem>>)
    %dma_start3A_30 = arith.constant 0 : i32
    %dma_start3A_31 = tpu.memref_slice %arg6[%min3A_3, %dma_start3A_30] : memref<1000x128xf32, #tpu.memory_space<hbm>> -> memref<32x128xf32, #tpu.memory_space<hbm>>
    %dma_start3A_32 = arith.constant 0 : i32
    %dma_start3A_33 = tpu.memref_slice %arg6[%min3A_3, %dma_start3A_32] : memref<1000x128xf32, #tpu.memory_space<hbm>> -> memref<32x128xf32, #tpu.memory_space<hbm>>
    tpu.enqueue_dma source(%arg10 : memref<32x128xf32, #tpu.memory_space<vmem>>) target(%dma_start3A_33 : memref<32x128xf32, #tpu.memory_space<hbm>>) target_semaphore(%arg15 : memref<!tpu.dma_semaphore, #tpu.memory_space<semaphore_mem>>)
    %dma_wait3A_34 = arith.constant 0 : i32
    %dma_wait3A_35 = arith.constant 0 : i32
    %dma_wait3A_36 = tpu.memref_slice %arg2[%dma_wait3A_34, %dma_wait3A_35] : memref<10000x128xf32, #tpu.memory_space<hbm>> -> memref<10000x128xf32, #tpu.memory_space<hbm>>
    tpu.wait_indirect_dma semaphore(%arg16 : memref<!tpu.dma_semaphore, #tpu.memory_space<semaphore_mem>>) src(%dma_wait3A_36 : memref<10000x128xf32, #tpu.memory_space<hbm>>) dst(%arg13 : memref<104x128xf32, #tpu.memory_space<vmem>>)
    %dma_start3A_37 = arith.constant 0 : i32
    %dma_start3A_38 = tpu.memref_slice %arg7[%min3A_7, %dma_start3A_37] : memref<3200x128xf32, #tpu.memory_space<hbm>> -> memref<104x128xf32, #tpu.memory_space<hbm>>
    %dma_start3A_39 = arith.constant 0 : i32
    %dma_start3A_40 = tpu.memref_slice %arg7[%min3A_7, %dma_start3A_39] : memref<3200x128xf32, #tpu.memory_space<hbm>> -> memref<104x128xf32, #tpu.memory_space<hbm>>
    tpu.enqueue_dma source(%arg13 : memref<104x128xf32, #tpu.memory_space<vmem>>) target(%dma_start3A_40 : memref<104x128xf32, #tpu.memory_space<hbm>>) target_semaphore(%arg16 : memref<!tpu.dma_semaphore, #tpu.memory_space<semaphore_mem>>)
    %dma_wait3A_41 = arith.constant 0 : i32
    %dma_wait3A_42 = arith.constant 0 : i32
    %dma_wait3A_43 = tpu.memref_slice %arg2[%dma_wait3A_41, %dma_wait3A_42] : memref<10000x128xf32, #tpu.memory_space<hbm>> -> memref<10000x128xf32, #tpu.memory_space<hbm>>
    tpu.wait_indirect_dma semaphore(%arg17 : memref<!tpu.dma_semaphore, #tpu.memory_space<semaphore_mem>>) src(%dma_wait3A_43 : memref<10000x128xf32, #tpu.memory_space<hbm>>) dst(%arg14 : memref<104x128xf32, #tpu.memory_space<vmem>>)
    %dma_start3A_44 = arith.constant 0 : i32
    %dma_start3A_45 = tpu.memref_slice %arg8[%min3A_7, %dma_start3A_44] : memref<3200x128xf32, #tpu.memory_space<hbm>> -> memref<104x128xf32, #tpu.memory_space<hbm>>
    %dma_start3A_46 = arith.constant 0 : i32
    %dma_start3A_47 = tpu.memref_slice %arg8[%min3A_7, %dma_start3A_46] : memref<3200x128xf32, #tpu.memory_space<hbm>> -> memref<104x128xf32, #tpu.memory_space<hbm>>
    tpu.enqueue_dma source(%arg14 : memref<104x128xf32, #tpu.memory_space<vmem>>) target(%dma_start3A_47 : memref<104x128xf32, #tpu.memory_space<hbm>>) target_semaphore(%arg17 : memref<!tpu.dma_semaphore, #tpu.memory_space<semaphore_mem>>)
    %dma_wait3A_48 = arith.constant 0 : i32
    %dma_wait3A_49 = tpu.memref_slice %arg6[%min3A_3, %dma_wait3A_48] : memref<1000x128xf32, #tpu.memory_space<hbm>> -> memref<32x128xf32, #tpu.memory_space<hbm>>
    %dma_wait3A_50 = arith.constant 0 : i32
    %dma_wait3A_51 = tpu.memref_slice %arg6[%min3A_3, %dma_wait3A_50] : memref<1000x128xf32, #tpu.memory_space<hbm>> -> memref<32x128xf32, #tpu.memory_space<hbm>>
    tpu.wait_dma2 semaphore(%arg15 : memref<!tpu.dma_semaphore, #tpu.memory_space<semaphore_mem>>) src(%arg10 : memref<32x128xf32, #tpu.memory_space<vmem>>) dst(%dma_wait3A_51 : memref<32x128xf32, #tpu.memory_space<hbm>>)
    %dma_wait3A_52 = arith.constant 0 : i32
    %dma_wait3A_53 = tpu.memref_slice %arg7[%min3A_7, %dma_wait3A_52] : memref<3200x128xf32, #tpu.memory_space<hbm>> -> memref<104x128xf32, #tpu.memory_space<hbm>>
    %dma_wait3A_54 = arith.constant 0 : i32
    %dma_wait3A_55 = tpu.memref_slice %arg7[%min3A_7, %dma_wait3A_54] : memref<3200x128xf32, #tpu.memory_space<hbm>> -> memref<104x128xf32, #tpu.memory_space<hbm>>
    tpu.wait_dma2 semaphore(%arg16 : memref<!tpu.dma_semaphore, #tpu.memory_space<semaphore_mem>>) src(%arg13 : memref<104x128xf32, #tpu.memory_space<vmem>>) dst(%dma_wait3A_55 : memref<104x128xf32, #tpu.memory_space<hbm>>)
    %dma_wait3A_56 = arith.constant 0 : i32
    %dma_wait3A_57 = tpu.memref_slice %arg8[%min3A_7, %dma_wait3A_56] : memref<3200x128xf32, #tpu.memory_space<hbm>> -> memref<104x128xf32, #tpu.memory_space<hbm>>
    %dma_wait3A_58 = arith.constant 0 : i32
    %dma_wait3A_59 = tpu.memref_slice %arg8[%min3A_7, %dma_wait3A_58] : memref<3200x128xf32, #tpu.memory_space<hbm>> -> memref<104x128xf32, #tpu.memory_space<hbm>>
    tpu.wait_dma2 semaphore(%arg17 : memref<!tpu.dma_semaphore, #tpu.memory_space<semaphore_mem>>) src(%arg14 : memref<104x128xf32, #tpu.memory_space<vmem>>) dst(%dma_wait3A_59 : memref<104x128xf32, #tpu.memory_space<hbm>>)
    return
  }
}

module attributes {stable_mosaic.version = 14 : i64} {
  func.func @_tc_body(%arg0: memref<1x1xf32, #tpu.memory_space<smem>>, %arg1: memref<1000x128xf32, #tpu.memory_space<vmem>>, %arg2: memref<1000x1xi32, #tpu.memory_space<vmem>>, %arg3: memref<1x1000xi32, #tpu.memory_space<vmem>>, %arg4: memref<3200x128xf32, #tpu.memory_space<hbm>>, %arg5: memref<3200x128xf32, #tpu.memory_space<hbm>>, %arg6: memref<1x1xf32, #tpu.memory_space<smem>>, %arg7: memref<3200x128xf32, #tpu.memory_space<vmem>>, %arg8: memref<3200x128xf32, #tpu.memory_space<vmem>>, %arg9: memref<!tpu.dma_semaphore, #tpu.memory_space<semaphore_mem>>, %arg10: memref<!tpu.dma_semaphore, #tpu.memory_space<semaphore_mem>>) attributes {dimension_semantics = [], scalar_prefetch = 0 : i64, scratch_operands = 4 : i64, tpu.core_type = #tpu.core_type<tc>} {
    tpu.enqueue_dma source(%arg4 : memref<3200x128xf32, #tpu.memory_space<hbm>>) target(%arg7 : memref<3200x128xf32, #tpu.memory_space<vmem>>) target_semaphore(%arg9 : memref<!tpu.dma_semaphore, #tpu.memory_space<semaphore_mem>>)
    tpu.enqueue_dma source(%arg5 : memref<3200x128xf32, #tpu.memory_space<hbm>>) target(%arg8 : memref<3200x128xf32, #tpu.memory_space<vmem>>) target_semaphore(%arg10 : memref<!tpu.dma_semaphore, #tpu.memory_space<semaphore_mem>>)
    %get3A = arith.constant 0 : index
    %get3A_0 = arith.constant 0 : index
    %get3A_1 = memref.load %arg0[%get3A, %get3A_0] : memref<1x1xf32, #tpu.memory_space<smem>>
    %get3A_2 = arith.constant 0 : index
    %get3A_3 = arith.constant 0 : index
    %get3A_4 = vector.load %arg1[%get3A_2, %get3A_3] : memref<1000x128xf32, #tpu.memory_space<vmem>>, vector<1000x128xf32>
    %mul3A = arith.mulf %get3A_4, %get3A_4 : vector<1000x128xf32>
    %reduce_sum3A = arith.constant dense<0.000000e+00> : vector<1000xf32>
    %reduce_sum3A_5 = vector.multi_reduction <add>, %mul3A, %reduce_sum3A [1] : vector<1000x128xf32> to vector<1000xf32>
    %broadcast_in_dim3A = vector.shape_cast %reduce_sum3A_5 : vector<1000xf32> to vector<1000x1xf32>
    %reduce_sum3A_6 = arith.constant dense<0.000000e+00> : vector<1000xf32>
    %reduce_sum3A_7 = vector.multi_reduction <add>, %get3A_4, %reduce_sum3A_6 [1] : vector<1000x128xf32> to vector<1000xf32>
    %broadcast_in_dim3A_8 = vector.shape_cast %reduce_sum3A_7 : vector<1000xf32> to vector<1000x1xf32>
    %mul3A_9 = arith.constant 2.000000e-06 : f32
    %mul3A_10 = vector.broadcast %mul3A_9 : f32 to vector<1000x1xf32>
    %mul3A_11 = arith.mulf %mul3A_10, %broadcast_in_dim3A_8 : vector<1000x1xf32>
    %add3A = arith.addf %broadcast_in_dim3A, %mul3A_11 : vector<1000x1xf32>
    %add3A_12 = arith.constant 1.280000e-10 : f32
    %add3A_13 = vector.broadcast %add3A_12 : f32 to vector<1000x1xf32>
    %add3A_14 = arith.addf %add3A, %add3A_13 : vector<1000x1xf32>
    %mul3A_15 = arith.constant 2.000000e-06 : f32
    %mul3A_16 = vector.broadcast %mul3A_15 : f32 to vector<1000x1xf32>
    %mul3A_17 = arith.mulf %mul3A_16, %broadcast_in_dim3A_8 : vector<1000x1xf32>
    %sub3A = arith.subf %broadcast_in_dim3A, %mul3A_17 : vector<1000x1xf32>
    %broadcast_in_dim3A_18 = arith.constant 1.000000e+00 : f32
    %broadcast_in_dim3A_19 = vector.broadcast %broadcast_in_dim3A_18 : f32 to vector<1000x1xf32>
    %concatenate3A = tpu.concatenate %get3A_4, %broadcast_in_dim3A_19 in 1 : vector<1000x128xf32>, vector<1000x1xf32> -> vector<1000x129xf32>
    %mul3A_20 = arith.constant -2.000000e+00 : f32
    %mul3A_21 = vector.broadcast %mul3A_20 : f32 to vector<1000x128xf32>
    %mul3A_22 = arith.mulf %mul3A_21, %get3A_4 : vector<1000x128xf32>
    %concatenate3A_23 = tpu.concatenate %mul3A_22, %sub3A in 1 : vector<1000x128xf32>, vector<1000x1xf32> -> vector<1000x129xf32>
    %dot_general3A = arith.constant dense<0.000000e+00> : vector<1000x1000xf32>
    %dot_general3A_24 = tpu.matmul %concatenate3A, %concatenate3A_23, %dot_general3A {dimension_numbers = #tpu.dot_dimension_numbers<[1], [1], [0], [0], [0, 0, 1, 0], [], []>, transpose_lhs_hint = false} : vector<1000x129xf32>, vector<1000x129xf32>, vector<1000x1000xf32> -> vector<1000x1000xf32>
    %add3A_25 = vector.broadcast %add3A_14 : vector<1000x1xf32> to vector<1000x1000xf32>
    %add3A_26 = arith.addf %add3A_25, %dot_general3A_24 : vector<1000x1000xf32>
    %max3A = arith.constant 1.280000e-10 : f32
    %max3A_27 = vector.broadcast %max3A : f32 to vector<1000x1000xf32>
    %max3A_28 = arith.maximumf %add3A_26, %max3A_27 : vector<1000x1000xf32>
    %sqrt3A = math.sqrt %max3A_28 : vector<1000x1000xf32>
    %get3A_29 = arith.constant 0 : index
    %get3A_30 = arith.constant 0 : index
    %get3A_31 = vector.load %arg2[%get3A_29, %get3A_30] : memref<1000x1xi32, #tpu.memory_space<vmem>>, vector<1000x1xi32>
    %get3A_32 = arith.constant 0 : index
    %get3A_33 = arith.constant 0 : index
    %get3A_34 = vector.load %arg3[%get3A_32, %get3A_33] : memref<1x1000xi32, #tpu.memory_space<vmem>>, vector<1x1000xi32>
    %eq3A = vector.broadcast %get3A_31 : vector<1000x1xi32> to vector<1000x1000xi32>
    %eq3A_35 = vector.broadcast %get3A_34 : vector<1x1000xi32> to vector<1000x1000xi32>
    %eq3A_36 = arith.cmpi eq, %eq3A, %eq3A_35 : vector<1000x1000xi32>
    %jit3A = arith.constant 1.13137085E-5 : f32
    %broadcast_in_dim3A_37 = vector.broadcast %jit3A : f32 to vector<1000x1000xf32>
    %select_n3A = arith.select %eq3A_36, %broadcast_in_dim3A_37, %sqrt3A : vector<1000x1000xi1>, vector<1000x1000xf32>
    %sub3A_38 = vector.broadcast %get3A_1 : f32 to vector<1000x1000xf32>
    %sub3A_39 = arith.subf %sub3A_38, %select_n3A : vector<1000x1000xf32>
    %exp3A = math.exp %sub3A_39 : vector<1000x1000xf32>
    %reduce_sum3A_40 = vector.shape_cast %exp3A : vector<1000x1000xf32> to vector<1x1000x1000xf32>
    %reduce_sum3A_41 = arith.constant dense<0.000000e+00> : vector<1xf32>
    %reduce_sum3A_42 = vector.multi_reduction <add>, %reduce_sum3A_40, %reduce_sum3A_41 [1, 2] : vector<1x1000x1000xf32> to vector<1xf32>
    %reduce_sum3A_43 = vector.shape_cast %reduce_sum3A_42 : vector<1xf32> to vector<1x1x1xf32>
    %reduce_sum3A_44 = vector.extract %reduce_sum3A_43[0, 0, 0] : f32 from vector<1x1x1xf32>
    %sub3A_45 = arith.constant 1.13137085E-5 : f32
    %sub3A_46 = arith.subf %get3A_1, %sub3A_45 : f32
    %exp3A_47 = math.exp %sub3A_46 : f32
    %mul3A_48 = arith.constant 1.000000e+03 : f32
    %mul3A_49 = arith.mulf %mul3A_48, %exp3A_47 : f32
    %sub3A_50 = arith.subf %reduce_sum3A_44, %mul3A_49 : f32
    %mul3A_51 = arith.constant 3.6945281 : f32
    %mul3A_52 = arith.mulf %mul3A_51, %sub3A_50 : f32
    tpu.wait_dma2 semaphore(%arg9 : memref<!tpu.dma_semaphore, #tpu.memory_space<semaphore_mem>>) src(%arg4 : memref<3200x128xf32, #tpu.memory_space<hbm>>) dst(%arg7 : memref<3200x128xf32, #tpu.memory_space<vmem>>)
    tpu.wait_dma2 semaphore(%arg10 : memref<!tpu.dma_semaphore, #tpu.memory_space<semaphore_mem>>) src(%arg5 : memref<3200x128xf32, #tpu.memory_space<hbm>>) dst(%arg8 : memref<3200x128xf32, #tpu.memory_space<vmem>>)
    %get3A_53 = arith.constant 0 : index
    %get3A_54 = arith.constant 0 : index
    %get3A_55 = vector.load %arg7[%get3A_53, %get3A_54] : memref<3200x128xf32, #tpu.memory_space<vmem>>, vector<3200x128xf32>
    %get3A_56 = arith.constant 0 : index
    %get3A_57 = arith.constant 0 : index
    %get3A_58 = vector.load %arg8[%get3A_56, %get3A_57] : memref<3200x128xf32, #tpu.memory_space<vmem>>, vector<3200x128xf32>
    %sub3A_59 = arith.subf %get3A_55, %get3A_58 : vector<3200x128xf32>
    %add3A_60 = arith.constant 9.99999997E-7 : f32
    %add3A_61 = vector.broadcast %add3A_60 : f32 to vector<3200x128xf32>
    %add3A_62 = arith.addf %sub3A_59, %add3A_61 : vector<3200x128xf32>
    %mul3A_63 = arith.mulf %add3A_62, %add3A_62 : vector<3200x128xf32>
    %reduce_sum3A_64 = arith.constant dense<0.000000e+00> : vector<3200xf32>
    %reduce_sum3A_65 = vector.multi_reduction <add>, %mul3A_63, %reduce_sum3A_64 [1] : vector<3200x128xf32> to vector<3200xf32>
    %broadcast_in_dim3A_66 = vector.shape_cast %reduce_sum3A_65 : vector<3200xf32> to vector<3200x1xf32>
    %mul3A_67 = arith.constant 3.200000e+03 : f32
    %mul3A_68 = arith.mulf %mul3A_67, %get3A_1 : f32
    %sqrt3A_69 = math.sqrt %broadcast_in_dim3A_66 : vector<3200x1xf32>
    %reduce_sum3A_70 = vector.shape_cast %sqrt3A_69 : vector<3200x1xf32> to vector<1x3200x1xf32>
    %reduce_sum3A_71 = arith.constant dense<0.000000e+00> : vector<1xf32>
    %reduce_sum3A_72 = vector.multi_reduction <add>, %reduce_sum3A_70, %reduce_sum3A_71 [1, 2] : vector<1x3200x1xf32> to vector<1xf32>
    %reduce_sum3A_73 = vector.shape_cast %reduce_sum3A_72 : vector<1xf32> to vector<1x1x1xf32>
    %reduce_sum3A_74 = vector.extract %reduce_sum3A_73[0, 0, 0] : f32 from vector<1x1x1xf32>
    %sub3A_75 = arith.subf %mul3A_68, %reduce_sum3A_74 : f32
    %sub3A_76 = arith.subf %sub3A_75, %mul3A_52 : f32
    %swap3A = arith.constant 0 : index
    %swap3A_77 = arith.constant 0 : index
    %swap3A_78 = memref.load %arg6[%swap3A, %swap3A_77] : memref<1x1xf32, #tpu.memory_space<smem>>
    memref.store %sub3A_76, %arg6[%swap3A, %swap3A_77] : memref<1x1xf32, #tpu.memory_space<smem>>
    return
  }
}

</mosaic_0001>

<sc_bundles>
// kernel: kernel.4.cloned.1.call-start
scs
__scs_entry_jumppad:
0x0: {  	(pc) =	sbr.rel $0x88, $3  }
0x1: {  	(tag) =	ssettag $0x0;
	lr =	simm.s32 $0x1  }
0x2: {  	[smem:$0x3F9C] =	sst lr;
	_ =	strace $0xD0000000  }
0x3: {  	_ = 	snop  }
0x4: {  	_ = 	snop  }
0x5: {  	_ = 	snop  }
0x6: {  	_ = 	snop  }
0x7: {  	_ = 	snop  }
__scs_overlays_trampoline_lowered:
0x8: {  	[smem:$0x3FAB] =	sst s0  }
0x9: {  	[smem:$0x3FAC] =	sst s1  }
0xa: {  	[smem:$0x3FAD] =	sst s2  }
0xb: {  	[smem:$0x3FAE] =	sst s3  }
0xc: {  	[smem:$0x3FAF] =	sst s4  }
0xd: {  	[smem:$0x3FB0] =	sst s5  }
0xe: {  	[smem:$0x3FB1] =	sst s6  }
0xf: {  	[smem:$0x3FB2] =	sst s7  }
0x10: {  	[smem:$0x3FB3] =	sst s8  }
0x11: {  	[smem:$0x3FB4] =	sst s9;
	s0 =	simm.s32 @!p0 $0x0  }
0x12: {  	s1 =	sld [smem:$0x3F9A];
	s0 =	simm.s32 @p0 $0x1  }
0x13: {  	[smem:$0x3FB5] =	sst s0;
	s0 =	simm.s32 @!p1 $0x0  }
0x14: {  	s2 =	sld [smem:$0x3F99];
	s0 =	simm.s32 @p1 $0x1  }
0x15: {  	[smem:$0x3FB6] =	sst s0;
	s0 =	simm.s32 @!p2 $0x0  }
0x16: {  	s3 =	sld [smem:$0x3FDB];
	s0 =	simm.s32 @p2 $0x1  }
0x17: {  	s4 =	simm.s32 $0x1BF5;
	[smem:$0x3FB8] =	sst s0  }
0x18: {  	s0 =	sld [smem:$0x3F9B];
	_ =	swait.ge [sflag:s4], $0x0  }
0x19: {  	s7 =	sld [smem:$0x3F9C]  }
0x1a: {  	s8 =	sadd.s32 $0xFFFFE003, lr  }
0x1b: {  	s9 =	sadd.s32 $0xFFFFFEF7, lr;
	s5 =	simm.s32 $0xFFFFFFFF;
	p2 =	slt.u32 s8, $0xFFFFF086  }
0x1c: {  	p1 =	slt.u32 s9, $0xF7A;
	s5 =	simm.s32 @!p2 $0x0  }
0x1d: {  	s5 =	simm.s32 @p1 $0x1;
	p0 =	seq.s32 s7, s2  }
0x1e: {  	s7 =	smul.u32 @!p0 $0xF7A, s2;
	p2 =	seq.s32 @!p0 s5, $0x0  }
0x1f: {  	s9 =	smul.u32 $0xF7A, s1;
	s8 =	simm.s32 @!p0 $0x1BF5;
	p2 =	por !p2, p0  }
0x20: {  	[sflag:s8] =	ssyncset.s32 @!p0 $0xFFFFF086;
	s6 =	sadd.s32 @!p0 s3, s7;
	s7 =	simm.s32 @!p0 $0x108  }
0x21: {  	s3 =	sadd.s32 s3, s9;
	s6 =	sadd.s32 @!p0 $0x88, s6;
	s7 =	simm.s32 @p2 $0x1082  }
0x22: {  	[simem:s7], [sflag:s8] =	dma.local @!p0 [hbm:s6], $0xF7A  }
0x23: {  	s9 =	sor.u32 $0xD0000000, s2;
	s6 =	simm.s32 $0x108;
	_ =	swait.ge @!p0 [sflag:s8], $0x0  }
0x24: {  	s3 =	sadd.s32 $0x88, s3;
	s6 =	simm.s32 @!p1 $0x1082;
	[sflag:s4] =	ssyncset.s32 $0xFFFFF086  }
0x25: {  	[simem:s6], [sflag:s4] =	dma.local [hbm:s3], $0xF7A  }
0x26: {  	[smem:$0x3F9C] =	sst s1;
	(tag) =	ssettag s2;
	_ =	strace s9  }
0x27: {  	s1 =	sld [smem:$0x3FAC]  }
0x28: {  	s2 =	sld [smem:$0x3FAD]  }
0x29: {  	s4 =	sld [smem:$0x3FAF]  }
0x2a: {  	p0 =	seq.s32 s5, $0x0;
	s5 =	sld [smem:$0x3FB0]  }
0x2b: {  	s6 =	sld [smem:$0x3FB1]  }
0x2c: {  	s7 =	sld [smem:$0x3FB2]  }
0x2d: {  	s3 =	simm.s32 $0x108;
	s8 =	sld [smem:$0x3FB3]  }
0x2e: {  	s3 =	simm.s32 @!p0 $0x1082;
	s9 =	sld [smem:$0x3FB4]  }
0x2f: {  	lr =	sadd.s32 s0, s3;
	s0 =	sld [smem:$0x3FAB]  }
0x30: {  	s3 =	sld [smem:$0x3FAE]  }
0x31: {  	[smem:$0x3FB7] =	sst s10  }
0x32: {  	s10 =	sld [smem:$0x3FB5];
	_ =	sdelay $0x3  }
0x33: {  	p0 =	seq.s32 s10, $0x1;
	s10 =	sld [smem:$0x3FB7];
	_ =	sdelay $0x3  }
0x34: {  	[smem:$0x3FB7] =	sst s10  }
0x35: {  	s10 =	sld [smem:$0x3FB6];
	_ =	sdelay $0x3  }
0x36: {  	p1 =	seq.s32 s10, $0x1;
	s10 =	sld [smem:$0x3FB7];
	_ =	sdelay $0x3  }
0x37: {  	[smem:$0x3FB7] =	sst s10  }
0x38: {  	s10 =	sld [smem:$0x3FB8]  }
0x39: {  	_ = 	snop;
	(pc) =	sbr.ind lr, $3  }
0x3a: {  	_ = 	snop  }
0x3b: {  	_ = 	snop  }
0x3c: {  	p2 =	seq.s32 s10, $0x1;
	s10 =	sld [smem:$0x3FB7]  }
0x3d: {  	_ =	shalt  }
0x3e: {  	_ =	shalt  }
0x3f: {  	_ =	shalt  }
0x40: {  	_ =	shalt  }
0x41: {  	_ =	shalt  }
0x42: {  	_ =	shalt  }
0x43: {  	_ =	shalt  }
0x44: {  	_ =	shalt  }
0x45: {  	_ =	shalt  }
0x46: {  	_ =	shalt  }
0x47: {  	_ =	shalt  }
0x48: {  	_ =	shalt  }
0x49: {  	_ =	shalt  }
0x4a: {  	_ =	shalt  }
0x4b: {  	_ =	shalt  }
0x4c: {  	_ =	shalt  }
0x4d: {  	_ =	shalt  }
0x4e: {  	_ =	shalt  }
0x4f: {  	_ =	shalt  }
0x50: {  	_ =	shalt  }
0x51: {  	_ =	shalt  }
0x52: {  	_ =	shalt  }
0x53: {  	_ =	shalt  }
0x54: {  	_ =	shalt  }
0x55: {  	_ =	shalt  }
0x56: {  	_ =	shalt  }
0x57: {  	_ =	shalt  }
0x58: {  	_ =	shalt  }
0x59: {  	_ =	shalt  }
0x5a: {  	_ =	shalt  }
0x5b: {  	_ =	shalt  }
0x5c: {  	_ =	shalt  }
0x5d: {  	_ =	shalt  }
0x5e: {  	_ =	shalt  }
0x5f: {  	_ =	shalt  }
0x60: {  	_ =	shalt  }
0x61: {  	_ =	shalt  }
0x62: {  	_ =	shalt  }
0x63: {  	_ =	shalt  }
0x64: {  	_ =	shalt  }
0x65: {  	_ =	shalt  }
0x66: {  	_ =	shalt  }
0x67: {  	_ =	shalt  }
0x68: {  	_ =	shalt  }
0x69: {  	_ =	shalt  }
0x6a: {  	_ =	shalt  }
0x6b: {  	_ =	shalt  }
0x6c: {  	_ =	shalt  }
0x6d: {  	_ =	shalt  }
0x6e: {  	_ =	shalt  }
0x6f: {  	_ =	shalt  }
0x70: {  	_ =	shalt  }
0x71: {  	_ =	shalt  }
0x72: {  	_ =	shalt  }
0x73: {  	_ =	shalt  }
0x74: {  	_ =	shalt  }
0x75: {  	_ =	shalt  }
0x76: {  	_ =	shalt  }
0x77: {  	_ =	shalt  }
0x78: {  	_ =	shalt  }
0x79: {  	_ =	shalt  }
0x7a: {  	_ =	shalt  }
0x7b: {  	_ =	shalt  }
0x7c: {  	_ =	shalt  }
0x7d: {  	_ =	shalt  }
0x7e: {  	_ =	shalt  }
0x7f: {  	_ =	shalt  }
0x80: {  	_ =	shalt  }
0x81: {  	_ =	shalt  }
0x82: {  	_ =	shalt  }
0x83: {  	_ =	shalt  }
0x84: {  	_ =	shalt  }
0x85: {  	_ =	shalt  }
0x86: {  	_ =	shalt  }
0x87: {  	_ =	shalt  }
.Lfunc_end0:
.L_simem_size_0:
called_computation_lowered:
.L_overlay_start_0:
0x88: {  	s2 =	sld [smem:$0x3FD9]  }
0x89: {  	s3 =	sld [smem:$0x3FFE];
	_ =	sdelay $0x1  }
0x8a: {  	s1 =	srdreg.scid  }
0x8b: {  	s0 =	sand.u32 $0x1, s1  }
0x8c: {  	s17 =	sshll.u32 s0, $0xA;
	s2 =	sadd.s32 s3, s2  }
0x8d: {  	s2 =	sadd.s32 s2, s17  }
0x8e: {  	[smem:$0x3FC3] =	sst s2  }
0x8f: {  	_ = 	snop  }
0x90: {  	s2 =	sld [smem:$0x3FC9]  }
0x91: {  	s18 =	sld [smem:$0x3FC7]  }
0x92: {  	s4 =	sld [smem:$0x3FC6]  }
0x93: {  	s5 =	sld [smem:$0x3FC5];
	(tm) =	ssettm $0x1  }
0x94: {  	s6 =	sld [smem:$0x3FFB];
	_ =	sdelay $0x3  }
0x95: {  	_ =	strace s6  }
0x96: {  	s6 =	sld [smem:$0x3FFC];
	_ =	sdelay $0x3  }
0x97: {  	_ =	strace s6  }
0x98: {  	s6 =	sld [smem:$0x3FFD];
	_ =	sdelay $0x3  }
0x99: {  	_ =	strace s6  }
0x9a: {  	_ =	strace $0x8FFFFFFF  }
0x9b: {  	s19 =	sld [smem:$0x3FDB];
	_ =	sdelay $0x1  }
0x9c: {  	s7 =	simm.s32 $_scs_section_size  }
0x9d: {  	s8 =	simm.s32 $_size__tile_overlayer_lowered;
	s9 =	simm.s32 $_tile_overlayer_lowered  }
0x9e: {  	s22 =	simm.s32 $0x1BFF;
	s21 =	sshll.u32 s9, $0x1;
	s6 =	sadd.s32 s7, s19  }
0x9f: {  	s10 =	simm.s32 $0x0;
	s20 =	sshll.u32 s8, $0x1;
	s8 =	sadd.s32 s21, s6  }
0xa0: {  	[timem:s10], [sflag:s22] =	dma.local [hbm:s8], s20  }
0xa1: {  	_ =	swait.ge [sflag:s22], s20  }
0xa2: {  	s7 =	ssub.s32 $0x0, s20;
	[sflag:s22] =	ssyncset.done $0x0  }
0xa3: {  	[sflag:s22] =	ssyncadd.s32 s7;
	_ =	sdelay $0x1  }
0xa4: {  	s23 =	simm.s32 $0x1B8B  }
0xa5: {  	_ =	swait.ge [sflag:s23], $0x1  }
0xa6: {  	[sflag:s23] =	ssyncset.done $0x0  }
0xa7: {  	s25 =	simm.s32 $0x1B8E;
	s24 =	sld [smem:$0x3FFE];
	[sflag:s23] =	ssyncadd.s32 $0xFFFFFFFF  }
0xa8: {  	s26 =	simm.s32 $execute0_lowered;
	[smem:$0x3FD2] =	sst s25  }
0xa9: {  	s8 =	sshll.u32 s26, $0x1;
	_ =	strace $0x80000046;
	[dreg:$0x1] =	wrdreg $0xFFFFFFFF  }
0xaa: {  	s28 =	simm.s32 $_size_execute0_lowered;
	s6 =	sadd.s32 s6, s8;
	[dreg:$0x0] =	wrdreg $0x0  }
0xab: {  	s8 =	sshll.u32 s28, $0x1;
	[dreg:$0x2] =	wrdreg s6  }
0xac: {  	[dreg:$0x3] =	wrdreg s8  }
0xad: {  	[dreg:$0x4] =	wrdreg $0xC0  }
0xae: {  	_ =	task [dreg:s10], $0x5FFFF  }
0xaf: {  	[dreg:$0x1] =	wrdreg $0xFFFFFFFF  }
0xb0: {  	[dreg:$0x0] =	wrdreg $0x60  }
0xb1: {  	[dreg:$0x2] =	wrdreg s2  }
0xb2: {  	[dreg:$0x3] =	wrdreg s18  }
0xb3: {  	[dreg:$0x4] =	wrdreg s4  }
0xb4: {  	[dreg:$0x5] =	wrdreg s5  }
0xb5: {  	[dreg:$0x6] =	wrdreg s24  }
0xb6: {  	[dreg:$0x7] =	wrdreg $0x9  }
0xb7: {  	_ =	task.clear_ibuf [dreg:s10], $0x8FFFF;
	_ =	strace $0x90000046  }
0xb8: {  	s29 =	simm.s32 $0x9;
	_ =	strace $0x80000048  }
0xb9: {  	_ =	swait.ge [sflag:s29], $0x1  }
0xba: {  	[sflag:s29] =	ssyncadd.s32 $0xFFFFFFFF  }
0xbb: {  	_ =	strace $0x90000048  }
0xbc: {  	_ =	sfence  }
0xbd: {  	s30 =	sld [smem:$0x0];
	_ =	sdelay $0x2  }
0xbe: {  	s31 =	sshll.u32 s1, $0xD;
	s1 =	sshrl.u32 s1, $0x2  }
0xbf: {  	s3 =	sand.u32 $0x4000, s31;
	s1 =	sadd.s32 s1, s30  }
0xc0: {  	s0 =	sor.u32 s3, s0;
	s1 =	sshll.u32 s1, $0x11  }
0xc1: {  	s0 =	sor.u32 s1, s0  }
0xc2: {  	s0 =	sadd.s32 $0x8F2B, s0  }
0xc3: {  	[sflag:s0] =	ssyncadd.remote.s32 $0x1  }
0xc4: {  	_ =	sfence.sel $0xFFFF  }
0xc5: {  	[dreg:$0x0] =	wrdreg $0xFFFFFFFF;
	(pc) =	sbr.abs _section_cstart, $3  }
0xc6: {  	[dreg:$0x1] =	wrdreg $0xFFFFFFFF  }
0xc7: {  	_ =	task.clear_ibuf [dreg:s10], $0x2FFFF;
	_ =	strace $0x9FFFFFFF  }
0xc8: {  	(tm) =	ssettm $0x7FFFFFFF  }
0xc9: {  	_ =	shalt  }
tec
execute0_lowered:
.L_overlay_start_1:
0x0: {  	(tag) =	ssettag $0x1  }
0x1: {  	s1 =	rddreg [dreg:$0x0]  }
0x2: {  	s4 =	rddreg [dreg:$0x1];
	s2 =	srdreg.scid  }
0x3: {  	s0 =	stileid.u32;
	s5 =	rddreg [dreg:$0x2]  }
0x4: {  	s7 =	rddreg [dreg:$0x3];
	s20 =	sand.u32 $0x1, s2;
	s31 =	sshll.u32 s0, $0x1  }
0x5: {  	s18 =	rddreg [dreg:$0x4];
	s2 =	sor.u32 s20, s31  }
0x6: {  	s3 =	simm.s32 $0x0;
	s6 =	sshll.u32 s2, $0x5;
	s8 =	smul.u32 $0x68, s2  }
0x7: {  	[smem:$0x7FF] =	sst s3;
	s17 =	smin.u32 s6, $0x3C8  }
0x8: {  	s2 =	rddreg [dreg:$0x5];
	s19 =	smin.u32 s8, $0xC18;
	s6 =	sshrl.u32 s17, $0x3  }
0x9: {  	_ =	strace $0x80000047;
	s4 =	sadd.s32 s4, s6;
	s8 =	sshrl.u32 s19, $0x3  }
0xa: {  	[tilespmem:s3], [sflag:$0x1] =	stream.linear.gather [hbm4b:s4+s3], $0x20, $0x38;
	[tilespmem:$0x7980] =	vst v63  }
0xb: {  	s6 =	simm.s32 $0x1080;
	s5 =	sadd.s32 s5, s8  }
0xc: {  	[tilespmem:s6], [sflag:$0x2] =	stream.linear.gather [hbm4b:s5+s3], $0x68, $0x38;
	[tilespmem:$0x7980] =	vst v63  }
0xd: {  	s9 =	simm.s32 $0x1;
	s7 =	sadd.s32 s7, s8;
	s8 =	simm.s32 $0x1100  }
0xe: {  	[tilespmem:s8], [sflag:$0x3] =	stream.linear.gather [hbm4b:s7+s3], $0x68, $0x38;
	[tilespmem:$0x7980] =	vst v63  }
0xf: {  	_ =	swait.ge [sflag:s9], $0x20  }
0x10: {  	s10 =	simm.s32 $0x20;
	[sflag:s9] =	ssyncset.done $0x0  }
0x11: {  	s11 =	simm.s32 $0x80;
	s12 =	simm.s32 $0x2;
	[sflag:s9] =	ssyncadd.s32 $0xFFFFFFE0  }
0x12: {  	[tilespmem:s11], [sflag:$0x1] =	stream.indirect.gather [hbm4b:s1+s10], $0x80, s3, s10, $0xb8;
	[tilespmem:$0x7980] =	vst v63  }
0x13: {  	_ =	swait.ge [sflag:s12], $0x68  }
0x14: {  	s13 =	simm.s32 $0x68;
	[sflag:s12] =	ssyncset.done $0x0  }
0x15: {  	s15 =	simm.s32 $0x1180;
	s14 =	simm.s32 $0x3;
	[sflag:s12] =	ssyncadd.s32 $0xFFFFFF98  }
0x16: {  	[tilespmem:s15], [sflag:$0x2] =	stream.indirect.gather [hbm4b:s1+s13], $0x80, s6, s13, $0xb8;
	[tilespmem:$0x7980] =	vst v63  }
0x17: {  	_ =	swait.ge [sflag:s14], $0x68  }
0x18: {  	[sflag:s14] =	ssyncset.done $0x0  }
0x19: {  	s16 =	simm.s32 $0x4580;
	[sflag:s14] =	ssyncadd.s32 $0xFFFFFF98  }
0x1a: {  	[tilespmem:s16], [sflag:$0x3] =	stream.indirect.gather [hbm4b:s1+s13], $0x80, s8, s13, $0xb8;
	[tilespmem:$0x7980] =	vst v63  }
0x1b: {  	s17 =	sshll.u32 s17, $0x4;
	_ =	swait.ge [sflag:s9], $0x1000  }
0x1c: {  	s17 =	sadd.s32 s17, s18;
	[sflag:s9] =	ssyncset.done $0x0  }
0x1d: {  	s17 =	sadd.s32 $0x1A000, s17;
	[sflag:s9] =	ssyncadd.s32 $0xFFFFF000  }
0x1e: {  	[hbm4b:s17+s3] =	stream.linear.scatter [tilespmem:s11], [sflag:$0x1], $0x1000, $0x38;
	[tilespmem:$0x7980] =	vst v63  }
0x1f: {  	s19 =	sshll.u32 s19, $0x4;
	_ =	swait.ge [sflag:s12], $0x3400  }
0x20: {  	s19 =	sadd.s32 s19, s18;
	[sflag:s12] =	ssyncset.done $0x0  }
0x21: {  	s18 =	sadd.s32 $0x1000, s19;
	[sflag:s12] =	ssyncadd.s32 $0xFFFFCC00  }
0x22: {  	[hbm4b:s18+s3] =	stream.linear.scatter [tilespmem:s15], [sflag:$0x2], $0x3400, $0x38;
	[tilespmem:$0x7980] =	vst v63  }
0x23: {  	_ =	swait.ge [sflag:s14], $0x3400  }
0x24: {  	s20 =	ssub.s32 $0x2, s20;
	[sflag:s14] =	ssyncset.done $0x0  }
0x25: {  	s21 =	sshrl.u32 s20, $0x1;
	s19 =	sadd.s32 $0xD800, s19;
	[sflag:s14] =	ssyncadd.s32 $0xFFFFCC00  }
0x26: {  	[hbm4b:s19+s3] =	stream.linear.scatter [tilespmem:s16], [sflag:$0x3], $0x3400, $0x38;
	[tilespmem:$0x7980] =	vst v63  }
0x27: {  	s20 =	ssub.s32 s20, s21;
	_ =	swait.ge [sflag:s9], $0x1000  }
0x28: {  	s20 =	smax.u32 s20, $0x1;
	[sflag:s9] =	ssyncset.done $0x0  }
0x29: {  	p0 =	sne.s32 s20, $0x1;
	[sflag:s9] =	ssyncadd.s32 $0xFFFFF000  }
.Ltmp0:
0x2a: {  	_ =	swait.ge [sflag:s12], $0x3400;
	(pc) =	sbr.rel @!p0 .LBB2_2-.Ltmp0, $4  }
0x2b: {  	[sflag:s12] =	ssyncset.done $0x0  }
0x2c: {  	[sflag:s12] =	ssyncadd.s32 $0xFFFFCC00  }
0x2d: {  	_ =	swait.ge [sflag:s14], $0x3400  }
0x2e: {  	s20 =	sadd.s32 $0xFFFFFFFF, s20;
	[sflag:s14] =	ssyncset.done $0x0  }
.LBB2_1:
0x2f: {  	p0 =	sne.s32 s20, $0x1;
	s20 =	sadd.s32 $0xFFFFFFFF, s20;
	[sflag:s14] =	ssyncadd.s32 $0xFFFFCC00  }
0x30: {  	[tilespmem:s3], [sflag:$0x1] =	stream.linear.gather [hbm4b:s4+s3], $0x20, $0x38;
	[tilespmem:$0x7980] =	vst v63  }
0x31: {  	_ = 	snop  }
0x32: {  	[tilespmem:s6], [sflag:$0x2] =	stream.linear.gather [hbm4b:s5+s3], $0x68, $0x38;
	[tilespmem:$0x7980] =	vst v63  }
0x33: {  	_ = 	snop  }
0x34: {  	[tilespmem:s8], [sflag:$0x3] =	stream.linear.gather [hbm4b:s7+s3], $0x68, $0x38;
	[tilespmem:$0x7980] =	vst v63  }
0x35: {  	_ =	swait.ge [sflag:s9], $0x20  }
0x36: {  	[sflag:s9] =	ssyncset.done $0x0  }
0x37: {  	[sflag:s9] =	ssyncadd.s32 $0xFFFFFFE0  }
0x38: {  	[tilespmem:s11], [sflag:$0x1] =	stream.indirect.gather [hbm4b:s1+s10], $0x80, s3, s10, $0xb8;
	[tilespmem:$0x7980] =	vst v63  }
0x39: {  	_ =	swait.ge [sflag:s12], $0x68  }
0x3a: {  	[sflag:s12] =	ssyncset.done $0x0  }
0x3b: {  	[sflag:s12] =	ssyncadd.s32 $0xFFFFFF98  }
0x3c: {  	[tilespmem:s15], [sflag:$0x2] =	stream.indirect.gather [hbm4b:s1+s13], $0x80, s6, s13, $0xb8;
	[tilespmem:$0x7980] =	vst v63  }
0x3d: {  	_ =	swait.ge [sflag:s14], $0x68  }
0x3e: {  	[sflag:s14] =	ssyncset.done $0x0  }
0x3f: {  	[sflag:s14] =	ssyncadd.s32 $0xFFFFFF98  }
0x40: {  	[tilespmem:s16], [sflag:$0x3] =	stream.indirect.gather [hbm4b:s1+s13], $0x80, s8, s13, $0xb8;
	[tilespmem:$0x7980] =	vst v63  }
0x41: {  	_ =	swait.ge [sflag:s9], $0x1000  }
0x42: {  	[sflag:s9] =	ssyncset.done $0x0  }
0x43: {  	[sflag:s9] =	ssyncadd.s32 $0xFFFFF000  }
0x44: {  	[hbm4b:s17+s3] =	stream.linear.scatter [tilespmem:s11], [sflag:$0x1], $0x1000, $0x38;
	[tilespmem:$0x7980] =	vst v63  }
0x45: {  	_ =	swait.ge [sflag:s12], $0x3400  }
0x46: {  	[sflag:s12] =	ssyncset.done $0x0  }
0x47: {  	[sflag:s12] =	ssyncadd.s32 $0xFFFFCC00  }
0x48: {  	[hbm4b:s18+s3] =	stream.linear.scatter [tilespmem:s15], [sflag:$0x2], $0x3400, $0x38;
	[tilespmem:$0x7980] =	vst v63  }
0x49: {  	_ =	swait.ge [sflag:s14], $0x3400  }
0x4a: {  	[sflag:s14] =	ssyncset.done $0x0  }
0x4b: {  	[sflag:s14] =	ssyncadd.s32 $0xFFFFCC00  }
0x4c: {  	[hbm4b:s19+s3] =	stream.linear.scatter [tilespmem:s16], [sflag:$0x3], $0x3400, $0x38;
	[tilespmem:$0x7980] =	vst v63  }
0x4d: {  	_ =	swait.ge [sflag:s9], $0x1000  }
0x4e: {  	[sflag:s9] =	ssyncset.done $0x0  }
0x4f: {  	[sflag:s9] =	ssyncadd.s32 $0xFFFFF000  }
.Ltmp1:
0x50: {  	_ =	swait.ge [sflag:s12], $0x3400;
	(pc) =	sbr.rel @p0 .LBB2_1-.Ltmp1, $4  }
0x51: {  	[sflag:s12] =	ssyncset.done $0x0  }
0x52: {  	[sflag:s12] =	ssyncadd.s32 $0xFFFFCC00  }
0x53: {  	_ =	swait.ge [sflag:s14], $0x3400  }
0x54: {  	[sflag:s14] =	ssyncset.done $0x0  }
.LBB2_2:
0x55: {  	[sflag:s14] =	ssyncadd.s32 $0xFFFFCC00  }
0x56: {  	_ =	sfence.sel $0x180000  }
0x57: {  	[bflag:$0x0] =	sbarrier.arrive $0xFFFF  }
0x58: {  	p0 =	sne.s32 s0, $0x0;
	_ =	strace $0x90000047  }
0x59: {  	s0 =	sadd.s32 @!p0 $0x100000, s2;
	[bflag:$0x2] =	sbarrier.arrive $0xFFFF  }
0x5a: {  	[sflag:s0] =	ssyncadd.tile.s32 @!p0 $0x1;
	_ =	shalt  }
.Lfunc_end2:
_tile_overlayer_lowered:
.L_overlay_start_2:
0x5b: {  	(tag) =	ssettag $0x2  }
0x5c: {  	s0 =	rddreg [dreg:$0x0];
	s2 =	stileid.u32  }
0x5d: {  	s1 =	rddreg [dreg:$0x1];
	p0 =	sne.s32 s2, $0x0  }
0x5e: {  	s3 =	rddreg [dreg:$0x2];
	[bflag:$0x3] =	sbarrier.arrive $0xFFFF;
	s2 =	simm.s32 @!p0 $0x1C04  }
0x5f: {  	[timem:s3], [sflag:s2] =	dma.local @!p0 [hbm:s0], s1  }
0x60: {  	s0 =	simm.s32 @!p0 $0x4  }
0x61: {  	_ =	swait.ge @!p0 [sflag:s0], s1  }
0x62: {  	s1 =	ssub.s32 @!p0 $0x0, s1;
	[sflag:s0] =	ssyncset.done @!p0 $0x0  }
0x63: {  	[sflag:s0] =	ssyncadd.s32 @!p0 s1  }
0x64: {  	[bflag:$0x3] =	sbarrier.arrive $0xFFFF  }
0x65: {  	_ =	shalt  }

</sc_bundles>
